<compile_context>
chip_gen: v7x
topology: tpu7x:2x2x1
jax: 0.10.2.dev20260603
libtpu: 0.0.44.dev20260713+nightly
codegen_flags: <defaults>
</compile_context>

<pallas_src>
import jax
import jax.numpy as jnp
from jax import lax
from jax.experimental import pallas as pl
from jax.experimental.pallas import tpu as pltpu

_N = 8192
_M = 65536
_F = 21
_BQ = 512
_S = 1024


def _win_body(bias_ref, start_ref, posyt_ref, keys_ref, x_ref,
              out_ref, flag_ref):
    start = start_ref[pl.program_id(0)]
    bias = bias_ref[0]
    big = jnp.float32(jnp.inf)
    qlat = posyt_ref[0:1, :]
    qlon = posyt_ref[1:2, :]
    kl = keys_ref[pl.ds(start, _S), 0:1]
    kn = keys_ref[pl.ds(start, _S), 1:2]
    dlat = kl - qlat
    dlon = kn - qlon
    d2 = dlat * dlat + dlon * dlon

    v1 = jnp.min(d2, axis=0, keepdims=True)
    v2 = jnp.min(jnp.where(d2 > v1, d2, big), axis=0, keepdims=True)
    v3 = jnp.min(jnp.where(d2 > v2, d2, big), axis=0, keepdims=True)
    w1 = 1.0 / jnp.maximum(v1 + bias, 1e-16)
    w2 = 1.0 / jnp.maximum(v2 + bias, 1e-16)
    w3 = 1.0 / jnp.maximum(v3 + bias, 1e-16)
    rden = 1.0 / (w1 + w2 + w3)
    w_mat = jnp.where(d2 <= v3,
                      rden / jnp.maximum(d2 + bias, 1e-16), 0.0)

    out_ref[...] = jax.lax.dot_general(
        w_mat, x_ref[pl.ds(start, _S), :],
        dimension_numbers=(((0,), (0,)), ((), ())),
        preferred_element_type=jnp.float32,
        precision=jax.lax.Precision.DEFAULT)

    lat_first = jnp.min(keys_ref[pl.ds(start, 8), 0:1], axis=0,
                        keepdims=True)
    lat_last = jnp.max(keys_ref[pl.ds(start + (_S - 8), 8), 0:1], axis=0,
                       keepdims=True)
    dl = jnp.maximum(qlat - lat_first, 0.0)
    dr = jnp.maximum(lat_last - qlat, 0.0)
    bl = jnp.where(start == 0, big, dl * dl)
    br = jnp.where(start + _S == keys_ref.shape[0], big, dr * dr)
    ok = v3 < jnp.minimum(bl, br)
    flag_ref[...] = ok.astype(jnp.float32).reshape(1, 1, _BQ)


def _full_body(bias_ref, posy_ref, keys_ref, x_ref, out_ref):
    qlat = posy_ref[:, 0:1]
    qlon = posy_ref[:, 1:2]
    klat = keys_ref[0:1, :]
    klon = keys_ref[1:2, :]
    dlat = qlat - klat
    dlon = qlon - klon
    d2 = dlat * dlat + dlon * dlon

    bias = bias_ref[0]
    big = jnp.float32(jnp.inf)
    v1 = jnp.min(d2, axis=1, keepdims=True)
    v2 = jnp.min(jnp.where(d2 > v1, d2, big), axis=1, keepdims=True)
    v3 = jnp.min(jnp.where(d2 > v2, d2, big), axis=1, keepdims=True)
    w_mat = jnp.where(d2 <= v3,
                      1.0 / jnp.maximum(d2 + bias, 1e-16), 0.0)
    den = (1.0 / jnp.maximum(v1 + bias, 1e-16)
           + 1.0 / jnp.maximum(v2 + bias, 1e-16)
           + 1.0 / jnp.maximum(v3 + bias, 1e-16))
    num = jax.lax.dot_general(
        w_mat, x_ref[...],
        dimension_numbers=(((1,), (0,)), ((), ())),
        preferred_element_type=jnp.float32,
        precision=jax.lax.Precision.DEFAULT)
    out_ref[...] = num * (1.0 / den)


def _full_kernel(bias, x, pos_x, pos_y):
    m, n, f = pos_y.shape[0], pos_x.shape[0], x.shape[1]
    return pl.pallas_call(
        _full_body,
        grid=(m // _BQ,),
        in_specs=[
            pl.BlockSpec(memory_space=pltpu.SMEM),
            pl.BlockSpec((_BQ, 2), lambda i: (i, 0)),
            pl.BlockSpec((2, n), lambda i: (0, 0)),
            pl.BlockSpec((n, f), lambda i: (0, 0)),
        ],
        out_specs=pl.BlockSpec((_BQ, f), lambda i: (i, 0)),
        out_shape=jax.ShapeDtypeStruct((m, f), jnp.float32),
        compiler_params=pltpu.CompilerParams(
            dimension_semantics=("parallel",)),
    )(bias, pos_y, pos_x.T, x)


def kernel(x, pos_x, pos_y, k):
    m = pos_y.shape[0]
    n = pos_x.shape[0]
    f = x.shape[1]
    nblk = m // _BQ
    bias = (jnp.asarray(k, jnp.float32) - 3.0).reshape(1)

    order = jnp.argsort(pos_x[:, 0])
    keys_s = pos_x[order]
    x_s = x[order]
    blk_lat = pos_y[:: _BQ, 0]
    counts = jnp.searchsorted(keys_s[:, 0], blk_lat).astype(jnp.int32)
    starts = jnp.clip(counts - _S // 2, 0, n - _S) & ~jnp.int32(7)

    out, flags = pl.pallas_call(
        _win_body,
        grid=(nblk,),
        in_specs=[
            pl.BlockSpec(memory_space=pltpu.SMEM),
            pl.BlockSpec(memory_space=pltpu.SMEM),
            pl.BlockSpec((2, _BQ), lambda i: (0, i)),
            pl.BlockSpec((n, 2), lambda i: (0, 0)),
            pl.BlockSpec((n, f), lambda i: (0, 0)),
        ],
        out_specs=[
            pl.BlockSpec((_BQ, f), lambda i: (i, 0)),
            pl.BlockSpec((1, 1, _BQ), lambda i: (i, 0, 0)),
        ],
        out_shape=[
            jax.ShapeDtypeStruct((m, f), jnp.float32),
            jax.ShapeDtypeStruct((nblk, 1, _BQ), jnp.float32),
        ],
        compiler_params=pltpu.CompilerParams(
            dimension_semantics=("arbitrary",)),
    )(bias, starts, pos_y.T, keys_s, x_s)

    all_ok = jnp.all(flags > 0.5)
    out = lax.cond(all_ok,
                   lambda: out,
                   lambda: _full_kernel(bias, x, pos_x, pos_y))
    return out.reshape(m, 3, f // 3).transpose(1, 0, 2)

# --- scband reference (transcript-rebuilt; emitter-appended) ---
"""Pipeline reference for scband-meta-model2-14963666059762 (READ-ONLY COPY).

The authoritative reference and input builder live on the scoring server;
editing this copy changes nothing except your own understanding.
"""

import jax, jax.numpy as jnp
import numpy as np

M_CHUNKS = 16


def _knn(pos_x, pos_y, k):
    # For each row of pos_y, find k nearest rows of pos_x (brute force, chunked).
    m = pos_y.shape[0]
    chunk = m // M_CHUNKS
    chunks = pos_y.reshape(M_CHUNKS, chunk, pos_y.shape[1])

    def body(py):
        diff = py[:, None, :] - pos_x[None, :, :]          # [chunk, n, 2]
        d2 = jnp.sum(diff * diff, axis=-1)                  # [chunk, n]
        neg_d, idx = jax.lax.top_k(-d2, k)                  # k smallest distances
        return (-neg_d, idx)

    d2k, idx = jax.lax.map(body, chunks)
    return d2k.reshape(m, k), idx.reshape(m, k)


def setup_inputs(seed: int = 0):
    key = jax.random.key(seed)
    k1, k2, k3 = jax.random.split(key, 3)
    n = 8192
    res = (128, 512)
    m = res[0] * res[1]
    b, d = 3, 7
    # x = rearrange(randn(b, n, d), 'b n d -> n (b d)') -> [n, 21]
    x = jax.random.normal(k1, (n, b * d), dtype=jnp.float32)
    # irregular observation positions in grid coordinates
    lat = jax.random.uniform(k2, (n,), minval=0.0, maxval=float(res[0]))
    lon = jax.random.uniform(k3, (n,), minval=0.0, maxval=float(res[1]))
    pos_x = jnp.stack([lat, lon], axis=-1).astype(jnp.float32)
    # pos_y = cartesian_prod(arange(res0), arange(res1))
    gy, gx = jnp.meshgrid(jnp.arange(res[0], dtype=jnp.float32),
                          jnp.arange(res[1], dtype=jnp.float32), indexing='ij')
    pos_y = jnp.stack([gy.reshape(-1), gx.reshape(-1)], axis=-1)
    return {"x": x, "pos_x": pos_x, "pos_y": pos_y, "k": 3}


def reference(x, pos_x, pos_y, k):
    # knn_interpolate (torch_geometric semantics): for each query in pos_y,
    # inverse-squared-distance weighted average of its k nearest pos_x features.
    m = pos_y.shape[0]
    k_static = 3
    d2, idx = _knn(pos_x, pos_y, k_static)                # [m, k], [m, k]
    d2 = d2 + jnp.asarray(k - k_static, d2.dtype)
    w = 1.0 / jnp.maximum(d2, 1e-16)                      # [m, k]
    y_idx = jnp.repeat(jnp.arange(m), k_static)           # scatter destinations
    x_idx = idx.reshape(-1)                               # gather sources
    wf = w.reshape(-1, 1)
    den = jnp.zeros((m, 1), x.dtype).at[y_idx].add(wf)
    num = jnp.zeros((m, x.shape[1]), x.dtype).at[y_idx].add(jnp.take(x, x_idx, axis=0) * wf)
    y = num / den                                         # [m, 21]
    # rearrange 'm (b d) -> b m d' with b=3, d=7
    b, dd = 3, 7
    y = y.reshape(m, b, dd).transpose(1, 0, 2)            # [3, m, 7]
    return y

if __name__ == "__main__":
    import jax
    _d = setup_inputs()
    print(jax.jit(kernel)(*tuple(_d.values())))

</pallas_src>

<mosaic_0001>
module attributes {stable_mosaic.version = 14 : i64} {
  func.func @_win_body(%arg0: i32, %arg1: memref<1xf32, #tpu.memory_space<smem>>, %arg2: memref<128xi32, #tpu.memory_space<smem>>, %arg3: memref<2x512xf32, #tpu.memory_space<vmem>>, %arg4: memref<8192x2xf32, #tpu.memory_space<vmem>>, %arg5: memref<8192x21xf32, #tpu.memory_space<vmem>>, %arg6: memref<512x21xf32, #tpu.memory_space<vmem>>, %arg7: memref<1x1x512xf32, #tpu.memory_space<vmem>>) attributes {dimension_semantics = [#tpu.dimension_semantics<arbitrary>], iteration_bounds = array<i64: 128>, scalar_prefetch = 0 : i64, scratch_operands = 0 : i64, tpu.core_type = #tpu.core_type<tc>, window_params = [{transform_indices = @transform_0, window_bounds = array<i64: 1>}, {transform_indices = @transform_1, window_bounds = array<i64: 128>}, {transform_indices = @transform_2, window_bounds = array<i64: 2, 512>}, {pipeline_mode = #tpu.pipeline_mode<synchronous>, transform_indices = @transform_3, window_bounds = array<i64: 8192, 2>}, {pipeline_mode = #tpu.pipeline_mode<synchronous>, transform_indices = @transform_4, window_bounds = array<i64: 8192, 21>}, {transform_indices = @transform_5, window_bounds = array<i64: 512, 21>}, {transform_indices = @transform_6, window_bounds = array<i64: 1, 1, 512>}]} {
    %get3A = arith.index_cast %arg0 : i32 to index
    %get3A_0 = memref.load %arg2[%get3A] : memref<128xi32, #tpu.memory_space<smem>>
    %get3A_1 = arith.constant 0 : index
    %get3A_2 = memref.load %arg1[%get3A_1] : memref<1xf32, #tpu.memory_space<smem>>
    %get3A_3 = arith.constant 0 : index
    %get3A_4 = arith.constant 0 : index
    %get3A_5 = vector.load %arg3[%get3A_3, %get3A_4] : memref<2x512xf32, #tpu.memory_space<vmem>>, vector<1x512xf32>
    %get3A_6 = arith.constant 1 : index
    %get3A_7 = arith.constant 0 : index
    %get3A_8 = vector.load %arg3[%get3A_6, %get3A_7] : memref<2x512xf32, #tpu.memory_space<vmem>>, vector<1x512xf32>
    %get3A_9 = arith.index_cast %get3A_0 : i32 to index
    %get3A_10 = arith.constant 0 : index
    %get3A_11 = vector.load %arg4[%get3A_9, %get3A_10] : memref<8192x2xf32, #tpu.memory_space<vmem>>, vector<1024x1xf32>
    %get3A_12 = arith.index_cast %get3A_0 : i32 to index
    %get3A_13 = arith.constant 1 : index
    %get3A_14 = vector.load %arg4[%get3A_12, %get3A_13] : memref<8192x2xf32, #tpu.memory_space<vmem>>, vector<1024x1xf32>
    %sub3A = vector.broadcast %get3A_11 : vector<1024x1xf32> to vector<1024x512xf32>
    %sub3A_15 = vector.broadcast %get3A_5 : vector<1x512xf32> to vector<1024x512xf32>
    %sub3A_16 = arith.subf %sub3A, %sub3A_15 : vector<1024x512xf32>
    %sub3A_17 = vector.broadcast %get3A_14 : vector<1024x1xf32> to vector<1024x512xf32>
    %sub3A_18 = vector.broadcast %get3A_8 : vector<1x512xf32> to vector<1024x512xf32>
    %sub3A_19 = arith.subf %sub3A_17, %sub3A_18 : vector<1024x512xf32>
    %mul3A = arith.mulf %sub3A_16, %sub3A_16 : vector<1024x512xf32>
    %mul3A_20 = arith.mulf %sub3A_19, %sub3A_19 : vector<1024x512xf32>
    %add3A = arith.addf %mul3A, %mul3A_20 : vector<1024x512xf32>
    %reduce_min3A = arith.constant dense<0x7F800000> : vector<512xf32>
    %reduce_min3A_21 = vector.multi_reduction <minimumf>, %add3A, %reduce_min3A [0] : vector<1024x512xf32> to vector<512xf32>
    %broadcast_in_dim3A = vector.shape_cast %reduce_min3A_21 : vector<512xf32> to vector<1x512xf32>
    %gt3A = vector.broadcast %broadcast_in_dim3A : vector<1x512xf32> to vector<1024x512xf32>
    %gt3A_22 = arith.cmpf ogt, %add3A, %gt3A : vector<1024x512xf32>
    %jit3A = arith.constant 0x7F800000 : f32
    %broadcast_in_dim3A_23 = vector.broadcast %jit3A : f32 to vector<1024x512xf32>
    %select_n3A = arith.select %gt3A_22, %add3A, %broadcast_in_dim3A_23 : vector<1024x512xi1>, vector<1024x512xf32>
    %reduce_min3A_24 = arith.constant dense<0x7F800000> : vector<512xf32>
    %reduce_min3A_25 = vector.multi_reduction <minimumf>, %select_n3A, %reduce_min3A_24 [0] : vector<1024x512xf32> to vector<512xf32>
    %broadcast_in_dim3A_26 = vector.shape_cast %reduce_min3A_25 : vector<512xf32> to vector<1x512xf32>
    %gt3A_27 = vector.broadcast %broadcast_in_dim3A_26 : vector<1x512xf32> to vector<1024x512xf32>
    %gt3A_28 = arith.cmpf ogt, %add3A, %gt3A_27 : vector<1024x512xf32>
    %jit3A_29 = arith.constant 0x7F800000 : f32
    %broadcast_in_dim3A_30 = vector.broadcast %jit3A_29 : f32 to vector<1024x512xf32>
    %select_n3A_31 = arith.select %gt3A_28, %add3A, %broadcast_in_dim3A_30 : vector<1024x512xi1>, vector<1024x512xf32>
    %reduce_min3A_32 = arith.constant dense<0x7F800000> : vector<512xf32>
    %reduce_min3A_33 = vector.multi_reduction <minimumf>, %select_n3A_31, %reduce_min3A_32 [0] : vector<1024x512xf32> to vector<512xf32>
    %broadcast_in_dim3A_34 = vector.shape_cast %reduce_min3A_33 : vector<512xf32> to vector<1x512xf32>
    %add3A_35 = vector.broadcast %get3A_2 : f32 to vector<1x512xf32>
    %add3A_36 = arith.addf %broadcast_in_dim3A, %add3A_35 : vector<1x512xf32>
    %max3A = arith.constant 1.000000e-16 : f32
    %max3A_37 = vector.broadcast %max3A : f32 to vector<1x512xf32>
    %max3A_38 = arith.maximumf %add3A_36, %max3A_37 : vector<1x512xf32>
    %div3A = arith.constant 1.000000e+00 : f32
    %div3A_39 = vector.broadcast %div3A : f32 to vector<1x512xf32>
    %div3A_40 = arith.divf %div3A_39, %max3A_38 : vector<1x512xf32>
    %add3A_41 = vector.broadcast %get3A_2 : f32 to vector<1x512xf32>
    %add3A_42 = arith.addf %broadcast_in_dim3A_26, %add3A_41 : vector<1x512xf32>
    %max3A_43 = arith.constant 1.000000e-16 : f32
    %max3A_44 = vector.broadcast %max3A_43 : f32 to vector<1x512xf32>
    %max3A_45 = arith.maximumf %add3A_42, %max3A_44 : vector<1x512xf32>
    %div3A_46 = arith.constant 1.000000e+00 : f32
    %div3A_47 = vector.broadcast %div3A_46 : f32 to vector<1x512xf32>
    %div3A_48 = arith.divf %div3A_47, %max3A_45 : vector<1x512xf32>
    %add3A_49 = vector.broadcast %get3A_2 : f32 to vector<1x512xf32>
    %add3A_50 = arith.addf %broadcast_in_dim3A_34, %add3A_49 : vector<1x512xf32>
    %max3A_51 = arith.constant 1.000000e-16 : f32
    %max3A_52 = vector.broadcast %max3A_51 : f32 to vector<1x512xf32>
    %max3A_53 = arith.maximumf %add3A_50, %max3A_52 : vector<1x512xf32>
    %div3A_54 = arith.constant 1.000000e+00 : f32
    %div3A_55 = vector.broadcast %div3A_54 : f32 to vector<1x512xf32>
    %div3A_56 = arith.divf %div3A_55, %max3A_53 : vector<1x512xf32>
    %add3A_57 = arith.addf %div3A_40, %div3A_48 : vector<1x512xf32>
    %add3A_58 = arith.addf %add3A_57, %div3A_56 : vector<1x512xf32>
    %div3A_59 = arith.constant 1.000000e+00 : f32
    %div3A_60 = vector.broadcast %div3A_59 : f32 to vector<1x512xf32>
    %div3A_61 = arith.divf %div3A_60, %add3A_58 : vector<1x512xf32>
    %le3A = vector.broadcast %broadcast_in_dim3A_34 : vector<1x512xf32> to vector<1024x512xf32>
    %le3A_62 = arith.cmpf ole, %add3A, %le3A : vector<1024x512xf32>
    %add3A_63 = vector.broadcast %get3A_2 : f32 to vector<1024x512xf32>
    %add3A_64 = arith.addf %add3A, %add3A_63 : vector<1024x512xf32>
    %max3A_65 = arith.constant 1.000000e-16 : f32
    %max3A_66 = vector.broadcast %max3A_65 : f32 to vector<1024x512xf32>
    %max3A_67 = arith.maximumf %add3A_64, %max3A_66 : vector<1024x512xf32>
    %div3A_68 = vector.broadcast %div3A_61 : vector<1x512xf32> to vector<1024x512xf32>
    %div3A_69 = arith.divf %div3A_68, %max3A_67 : vector<1024x512xf32>
    %jit3A_70 = arith.constant 0.000000e+00 : f32
    %broadcast_in_dim3A_71 = vector.broadcast %jit3A_70 : f32 to vector<1024x512xf32>
    %select_n3A_72 = arith.select %le3A_62, %div3A_69, %broadcast_in_dim3A_71 : vector<1024x512xi1>, vector<1024x512xf32>
    %get3A_73 = arith.index_cast %get3A_0 : i32 to index
    %get3A_74 = arith.constant 0 : index
    %get3A_75 = vector.load %arg5[%get3A_73, %get3A_74] : memref<8192x21xf32, #tpu.memory_space<vmem>>, vector<1024x21xf32>
    %dot_general3A = arith.constant dense<0.000000e+00> : vector<512x21xf32>
    %dot_general3A_76 = tpu.matmul %select_n3A_72, %get3A_75, %dot_general3A {dimension_numbers = #tpu.dot_dimension_numbers<[0], [0], [1], [1], [0, 1, 1, 1], [], []>, transpose_lhs_hint = false} : vector<1024x512xf32>, vector<1024x21xf32>, vector<512x21xf32> -> vector<512x21xf32>
    %swap3A = arith.constant 0 : index
    %swap3A_77 = arith.constant 0 : index
    %swap3A_78 = vector.load %arg6[%swap3A, %swap3A_77] : memref<512x21xf32, #tpu.memory_space<vmem>>, vector<512x21xf32>
    tpu.vector_store %arg6[%swap3A, %swap3A_77], %dot_general3A_76 {strides = array<i32>} : memref<512x21xf32, #tpu.memory_space<vmem>>, vector<512x21xf32>,
    %get3A_79 = arith.index_cast %get3A_0 : i32 to index
    %get3A_80 = arith.constant 0 : index
    %get3A_81 = vector.load %arg4[%get3A_79, %get3A_80] : memref<8192x2xf32, #tpu.memory_space<vmem>>, vector<8x1xf32>
    %reduce_min3A_82 = arith.constant dense<0x7F800000> : vector<1xf32>
    %reduce_min3A_83 = vector.multi_reduction <minimumf>, %get3A_81, %reduce_min3A_82 [0] : vector<8x1xf32> to vector<1xf32>
    %broadcast_in_dim3A_84 = vector.shape_cast %reduce_min3A_83 : vector<1xf32> to vector<1x1xf32>
    %add3A_85 = arith.constant 1016 : i32
    %add3A_86 = arith.addi %get3A_0, %add3A_85 : i32
    %get3A_87 = arith.index_cast %add3A_86 : i32 to index
    %get3A_88 = arith.constant 0 : index
    %get3A_89 = vector.load %arg4[%get3A_87, %get3A_88] : memref<8192x2xf32, #tpu.memory_space<vmem>>, vector<8x1xf32>
    %reduce_max3A = arith.constant dense<0xFF800000> : vector<1xf32>
    %reduce_max3A_90 = vector.multi_reduction <maximumf>, %get3A_89, %reduce_max3A [0] : vector<8x1xf32> to vector<1xf32>
    %broadcast_in_dim3A_91 = vector.shape_cast %reduce_max3A_90 : vector<1xf32> to vector<1x1xf32>
    %sub3A_92 = vector.broadcast %broadcast_in_dim3A_84 : vector<1x1xf32> to vector<1x512xf32>
    %sub3A_93 = arith.subf %get3A_5, %sub3A_92 : vector<1x512xf32>
    %max3A_94 = arith.constant 0.000000e+00 : f32
    %max3A_95 = vector.broadcast %max3A_94 : f32 to vector<1x512xf32>
    %max3A_96 = arith.maximumf %sub3A_93, %max3A_95 : vector<1x512xf32>
    %sub3A_97 = vector.broadcast %broadcast_in_dim3A_91 : vector<1x1xf32> to vector<1x512xf32>
    %sub3A_98 = arith.subf %sub3A_97, %get3A_5 : vector<1x512xf32>
    %max3A_99 = arith.constant 0.000000e+00 : f32
    %max3A_100 = vector.broadcast %max3A_99 : f32 to vector<1x512xf32>
    %max3A_101 = arith.maximumf %sub3A_98, %max3A_100 : vector<1x512xf32>
    %eq3A = arith.constant 0 : i32
    %eq3A_102 = arith.cmpi eq, %get3A_0, %eq3A : i32
    %mul3A_103 = arith.mulf %max3A_96, %max3A_96 : vector<1x512xf32>
    %jit3A_104 = arith.constant 0x7F800000 : f32
    %broadcast_in_dim3A_105 = vector.broadcast %jit3A_104 : f32 to vector<1x512xf32>
    %select_n3A_106 = arith.select %eq3A_102, %broadcast_in_dim3A_105, %mul3A_103 : vector<1x512xf32>
    %add3A_107 = arith.constant 1024 : i32
    %add3A_108 = arith.addi %get3A_0, %add3A_107 : i32
    %eq3A_109 = arith.constant 8192 : i32
    %eq3A_110 = arith.cmpi eq, %add3A_108, %eq3A_109 : i32
    %mul3A_111 = arith.mulf %max3A_101, %max3A_101 : vector<1x512xf32>
    %jit3A_112 = arith.constant 0x7F800000 : f32
    %broadcast_in_dim3A_113 = vector.broadcast %jit3A_112 : f32 to vector<1x512xf32>
    %select_n3A_114 = arith.select %eq3A_110, %broadcast_in_dim3A_113, %mul3A_111 : vector<1x512xf32>
    %min3A = arith.minimumf %select_n3A_106, %select_n3A_114 : vector<1x512xf32>
    %lt3A = arith.cmpf olt, %broadcast_in_dim3A_34, %min3A : vector<1x512xf32>
    %convert_element_type3A = arith.extui %lt3A : vector<1x512xi1> to vector<1x512xi32>
    %convert_element_type3A_115 = arith.sitofp %convert_element_type3A : vector<1x512xi32> to vector<1x512xf32>
    %reshape3A = vector.shape_cast %convert_element_type3A_115 : vector<1x512xf32> to vector<1x1x512xf32>
    %swap3A_116 = arith.constant 0 : index
    %swap3A_117 = arith.constant 0 : index
    %swap3A_118 = arith.constant 0 : index
    %swap3A_119 = vector.load %arg7[%swap3A_116, %swap3A_117, %swap3A_118] : memref<1x1x512xf32, #tpu.memory_space<vmem>>, vector<1x1x512xf32>
    tpu.vector_store %arg7[%swap3A_116, %swap3A_117, %swap3A_118], %reshape3A {strides = array<i32>} : memref<1x1x512xf32, #tpu.memory_space<vmem>>, vector<1x1x512xf32>,
    return
  }
  func.func @transform_0(%arg0: i32) -> i32 {
    %c0_i32 = arith.constant 0 : i32
    %c0_i32_0 = arith.constant 0 : i32
    return %c0_i32 : i32
  }
  func.func @transform_1(%arg0: i32) -> i32 {
    %c0_i32 = arith.constant 0 : i32
    %c0_i32_0 = arith.constant 0 : i32
    return %c0_i32 : i32
  }
  func.func @transform_2(%arg0: i32) -> (i32, i32) {
    %c0_i32 = arith.constant 0 : i32
    %c0_i32_0 = arith.constant 0 : i32
    return %c0_i32, %arg0 : i32, i32
  }
  func.func @transform_3(%arg0: i32) -> (i32, i32) {
    %c0_i32 = arith.constant 0 : i32
    %c0_i32_0 = arith.constant 0 : i32
    %c0_i32_1 = arith.constant 0 : i32
    return %c0_i32, %c0_i32_0 : i32, i32
  }
  func.func @transform_4(%arg0: i32) -> (i32, i32) {
    %c0_i32 = arith.constant 0 : i32
    %c0_i32_0 = arith.constant 0 : i32
    %c0_i32_1 = arith.constant 0 : i32
    return %c0_i32, %c0_i32_0 : i32, i32
  }
  func.func @transform_5(%arg0: i32) -> (i32, i32) {
    %c0_i32 = arith.constant 0 : i32
    %c0_i32_0 = arith.constant 0 : i32
    return %arg0, %c0_i32 : i32, i32
  }
  func.func @transform_6(%arg0: i32) -> (i32, i32, i32) {
    %c0_i32 = arith.constant 0 : i32
    %c0_i32_0 = arith.constant 0 : i32
    %c0_i32_1 = arith.constant 0 : i32
    return %arg0, %c0_i32, %c0_i32_0 : i32, i32, i32
  }
}

module attributes {stable_mosaic.version = 14 : i64} {
  func.func @_full_body(%arg0: i32, %arg1: memref<1xf32, #tpu.memory_space<smem>>, %arg2: memref<512x2xf32, #tpu.memory_space<vmem>>, %arg3: memref<2x8192xf32, #tpu.memory_space<vmem>>, %arg4: memref<8192x21xf32, #tpu.memory_space<vmem>>, %arg5: memref<512x21xf32, #tpu.memory_space<vmem>>) attributes {dimension_semantics = [#tpu.dimension_semantics<parallel>], iteration_bounds = array<i64: 128>, scalar_prefetch = 0 : i64, scratch_operands = 0 : i64, tpu.core_type = #tpu.core_type<tc>, window_params = [{transform_indices = @transform_0, window_bounds = array<i64: 1>}, {transform_indices = @transform_1, window_bounds = array<i64: 512, 2>}, {pipeline_mode = #tpu.pipeline_mode<synchronous>, transform_indices = @transform_2, window_bounds = array<i64: 2, 8192>}, {pipeline_mode = #tpu.pipeline_mode<synchronous>, transform_indices = @transform_3, window_bounds = array<i64: 8192, 21>}, {transform_indices = @transform_4, window_bounds = array<i64: 512, 21>}]} {
    %get3A = arith.constant 0 : index
    %get3A_0 = arith.constant 0 : index
    %get3A_1 = vector.load %arg2[%get3A, %get3A_0] : memref<512x2xf32, #tpu.memory_space<vmem>>, vector<512x1xf32>
    %get3A_2 = arith.constant 0 : index
    %get3A_3 = arith.constant 1 : index
    %get3A_4 = vector.load %arg2[%get3A_2, %get3A_3] : memref<512x2xf32, #tpu.memory_space<vmem>>, vector<512x1xf32>
    %get3A_5 = arith.constant 0 : index
    %get3A_6 = arith.constant 0 : index
    %get3A_7 = vector.load %arg3[%get3A_5, %get3A_6] : memref<2x8192xf32, #tpu.memory_space<vmem>>, vector<1x8192xf32>
    %get3A_8 = arith.constant 1 : index
    %get3A_9 = arith.constant 0 : index
    %get3A_10 = vector.load %arg3[%get3A_8, %get3A_9] : memref<2x8192xf32, #tpu.memory_space<vmem>>, vector<1x8192xf32>
    %sub3A = vector.broadcast %get3A_1 : vector<512x1xf32> to vector<512x8192xf32>
    %sub3A_11 = vector.broadcast %get3A_7 : vector<1x8192xf32> to vector<512x8192xf32>
    %sub3A_12 = arith.subf %sub3A, %sub3A_11 : vector<512x8192xf32>
    %sub3A_13 = vector.broadcast %get3A_4 : vector<512x1xf32> to vector<512x8192xf32>
    %sub3A_14 = vector.broadcast %get3A_10 : vector<1x8192xf32> to vector<512x8192xf32>
    %sub3A_15 = arith.subf %sub3A_13, %sub3A_14 : vector<512x8192xf32>
    %mul3A = arith.mulf %sub3A_12, %sub3A_12 : vector<512x8192xf32>
    %mul3A_16 = arith.mulf %sub3A_15, %sub3A_15 : vector<512x8192xf32>
    %add3A = arith.addf %mul3A, %mul3A_16 : vector<512x8192xf32>
    %get3A_17 = arith.constant 0 : index
    %get3A_18 = memref.load %arg1[%get3A_17] : memref<1xf32, #tpu.memory_space<smem>>
    %reduce_min3A = arith.constant dense<0x7F800000> : vector<512xf32>
    %reduce_min3A_19 = vector.multi_reduction <minimumf>, %add3A, %reduce_min3A [1] : vector<512x8192xf32> to vector<512xf32>
    %broadcast_in_dim3A = vector.shape_cast %reduce_min3A_19 : vector<512xf32> to vector<512x1xf32>
    %gt3A = vector.broadcast %broadcast_in_dim3A : vector<512x1xf32> to vector<512x8192xf32>
    %gt3A_20 = arith.cmpf ogt, %add3A, %gt3A : vector<512x8192xf32>
    %jit3A = arith.constant 0x7F800000 : f32
    %broadcast_in_dim3A_21 = vector.broadcast %jit3A : f32 to vector<512x8192xf32>
    %select_n3A = arith.select %gt3A_20, %add3A, %broadcast_in_dim3A_21 : vector<512x8192xi1>, vector<512x8192xf32>
    %reduce_min3A_22 = arith.constant dense<0x7F800000> : vector<512xf32>
    %reduce_min3A_23 = vector.multi_reduction <minimumf>, %select_n3A, %reduce_min3A_22 [1] : vector<512x8192xf32> to vector<512xf32>
    %broadcast_in_dim3A_24 = vector.shape_cast %reduce_min3A_23 : vector<512xf32> to vector<512x1xf32>
    %gt3A_25 = vector.broadcast %broadcast_in_dim3A_24 : vector<512x1xf32> to vector<512x8192xf32>
    %gt3A_26 = arith.cmpf ogt, %add3A, %gt3A_25 : vector<512x8192xf32>
    %jit3A_27 = arith.constant 0x7F800000 : f32
    %broadcast_in_dim3A_28 = vector.broadcast %jit3A_27 : f32 to vector<512x8192xf32>
    %select_n3A_29 = arith.select %gt3A_26, %add3A, %broadcast_in_dim3A_28 : vector<512x8192xi1>, vector<512x8192xf32>
    %reduce_min3A_30 = arith.constant dense<0x7F800000> : vector<512xf32>
    %reduce_min3A_31 = vector.multi_reduction <minimumf>, %select_n3A_29, %reduce_min3A_30 [1] : vector<512x8192xf32> to vector<512xf32>
    %broadcast_in_dim3A_32 = vector.shape_cast %reduce_min3A_31 : vector<512xf32> to vector<512x1xf32>
    %le3A = vector.broadcast %broadcast_in_dim3A_32 : vector<512x1xf32> to vector<512x8192xf32>
    %le3A_33 = arith.cmpf ole, %add3A, %le3A : vector<512x8192xf32>
    %add3A_34 = vector.broadcast %get3A_18 : f32 to vector<512x8192xf32>
    %add3A_35 = arith.addf %add3A, %add3A_34 : vector<512x8192xf32>
    %max3A = arith.constant 1.000000e-16 : f32
    %max3A_36 = vector.broadcast %max3A : f32 to vector<512x8192xf32>
    %max3A_37 = arith.maximumf %add3A_35, %max3A_36 : vector<512x8192xf32>
    %div3A = arith.constant 1.000000e+00 : f32
    %div3A_38 = vector.broadcast %div3A : f32 to vector<512x8192xf32>
    %div3A_39 = arith.divf %div3A_38, %max3A_37 : vector<512x8192xf32>
    %jit3A_40 = arith.constant 0.000000e+00 : f32
    %broadcast_in_dim3A_41 = vector.broadcast %jit3A_40 : f32 to vector<512x8192xf32>
    %select_n3A_42 = arith.select %le3A_33, %div3A_39, %broadcast_in_dim3A_41 : vector<512x8192xi1>, vector<512x8192xf32>
    %add3A_43 = vector.broadcast %get3A_18 : f32 to vector<512x1xf32>
    %add3A_44 = arith.addf %broadcast_in_dim3A, %add3A_43 : vector<512x1xf32>
    %max3A_45 = arith.constant 1.000000e-16 : f32
    %max3A_46 = vector.broadcast %max3A_45 : f32 to vector<512x1xf32>
    %max3A_47 = arith.maximumf %add3A_44, %max3A_46 : vector<512x1xf32>
    %div3A_48 = arith.constant 1.000000e+00 : f32
    %div3A_49 = vector.broadcast %div3A_48 : f32 to vector<512x1xf32>
    %div3A_50 = arith.divf %div3A_49, %max3A_47 : vector<512x1xf32>
    %add3A_51 = vector.broadcast %get3A_18 : f32 to vector<512x1xf32>
    %add3A_52 = arith.addf %broadcast_in_dim3A_24, %add3A_51 : vector<512x1xf32>
    %max3A_53 = arith.constant 1.000000e-16 : f32
    %max3A_54 = vector.broadcast %max3A_53 : f32 to vector<512x1xf32>
    %max3A_55 = arith.maximumf %add3A_52, %max3A_54 : vector<512x1xf32>
    %div3A_56 = arith.constant 1.000000e+00 : f32
    %div3A_57 = vector.broadcast %div3A_56 : f32 to vector<512x1xf32>
    %div3A_58 = arith.divf %div3A_57, %max3A_55 : vector<512x1xf32>
    %add3A_59 = arith.addf %div3A_50, %div3A_58 : vector<512x1xf32>
    %add3A_60 = vector.broadcast %get3A_18 : f32 to vector<512x1xf32>
    %add3A_61 = arith.addf %broadcast_in_dim3A_32, %add3A_60 : vector<512x1xf32>
    %max3A_62 = arith.constant 1.000000e-16 : f32
    %max3A_63 = vector.broadcast %max3A_62 : f32 to vector<512x1xf32>
    %max3A_64 = arith.maximumf %add3A_61, %max3A_63 : vector<512x1xf32>
    %div3A_65 = arith.constant 1.000000e+00 : f32
    %div3A_66 = vector.broadcast %div3A_65 : f32 to vector<512x1xf32>
    %div3A_67 = arith.divf %div3A_66, %max3A_64 : vector<512x1xf32>
    %add3A_68 = arith.addf %add3A_59, %div3A_67 : vector<512x1xf32>
    %get3A_69 = arith.constant 0 : index
    %get3A_70 = arith.constant 0 : index
    %get3A_71 = vector.load %arg4[%get3A_69, %get3A_70] : memref<8192x21xf32, #tpu.memory_space<vmem>>, vector<8192x21xf32>
    %dot_general3A = arith.constant dense<0.000000e+00> : vector<512x21xf32>
    %dot_general3A_72 = tpu.matmul %select_n3A_42, %get3A_71, %dot_general3A {dimension_numbers = #tpu.dot_dimension_numbers<[1], [0], [0], [1], [0, 0, 1, 1], [], []>, transpose_lhs_hint = false} : vector<512x8192xf32>, vector<8192x21xf32>, vector<512x21xf32> -> vector<512x21xf32>
    %div3A_73 = arith.constant 1.000000e+00 : f32
    %div3A_74 = vector.broadcast %div3A_73 : f32 to vector<512x1xf32>
    %div3A_75 = arith.divf %div3A_74, %add3A_68 : vector<512x1xf32>
    %mul3A_76 = vector.broadcast %div3A_75 : vector<512x1xf32> to vector<512x21xf32>
    %mul3A_77 = arith.mulf %dot_general3A_72, %mul3A_76 : vector<512x21xf32>
    %swap3A = arith.constant 0 : index
    %swap3A_78 = arith.constant 0 : index
    %swap3A_79 = vector.load %arg5[%swap3A, %swap3A_78] : memref<512x21xf32, #tpu.memory_space<vmem>>, vector<512x21xf32>
    tpu.vector_store %arg5[%swap3A, %swap3A_78], %mul3A_77 {strides = array<i32>} : memref<512x21xf32, #tpu.memory_space<vmem>>, vector<512x21xf32>,
    return
  }
  func.func @transform_0(%arg0: i32) -> i32 {
    %c0_i32 = arith.constant 0 : i32
    %c0_i32_0 = arith.constant 0 : i32
    return %c0_i32 : i32
  }
  func.func @transform_1(%arg0: i32) -> (i32, i32) {
    %c0_i32 = arith.constant 0 : i32
    %c0_i32_0 = arith.constant 0 : i32
    return %arg0, %c0_i32 : i32, i32
  }
  func.func @transform_2(%arg0: i32) -> (i32, i32) {
    %c0_i32 = arith.constant 0 : i32
    %c0_i32_0 = arith.constant 0 : i32
    %c0_i32_1 = arith.constant 0 : i32
    return %c0_i32, %c0_i32_0 : i32, i32
  }
  func.func @transform_3(%arg0: i32) -> (i32, i32) {
    %c0_i32 = arith.constant 0 : i32
    %c0_i32_0 = arith.constant 0 : i32
    %c0_i32_1 = arith.constant 0 : i32
    return %c0_i32, %c0_i32_0 : i32, i32
  }
  func.func @transform_4(%arg0: i32) -> (i32, i32) {
    %c0_i32 = arith.constant 0 : i32
    %c0_i32_0 = arith.constant 0 : i32
    return %arg0, %c0_i32 : i32, i32
  }
}

</mosaic_0001>

<sc_bundles>
// kernel: gather_offload_async_start.1
scs
__scs_entry_jumppad:
0x0: {  	(pc) =	sbr.rel $0x88, $3  }
0x1: {  	(tag) =	ssettag $0x0;
	lr =	simm.s32 $0x1  }
0x2: {  	[smem:$0x3F9D] =	sst lr;
	_ =	strace $0xD0000000  }
0x3: {  	_ = 	snop  }
0x4: {  	_ = 	snop  }
0x5: {  	_ = 	snop  }
0x6: {  	_ = 	snop  }
0x7: {  	_ = 	snop  }
__scs_overlays_trampoline_lowered:
0x8: {  	[smem:$0x3FAC] =	sst s0  }
0x9: {  	[smem:$0x3FAD] =	sst s1  }
0xa: {  	[smem:$0x3FAE] =	sst s2  }
0xb: {  	[smem:$0x3FAF] =	sst s3  }
0xc: {  	[smem:$0x3FB0] =	sst s4  }
0xd: {  	[smem:$0x3FB1] =	sst s5  }
0xe: {  	[smem:$0x3FB2] =	sst s6  }
0xf: {  	[smem:$0x3FB3] =	sst s7  }
0x10: {  	[smem:$0x3FB4] =	sst s8  }
0x11: {  	[smem:$0x3FB5] =	sst s9;
	s0 =	simm.s32 @!p0 $0x0  }
0x12: {  	s1 =	sld [smem:$0x3F9B];
	s0 =	simm.s32 @p0 $0x1  }
0x13: {  	[smem:$0x3FB6] =	sst s0;
	s0 =	simm.s32 @!p1 $0x0  }
0x14: {  	s2 =	sld [smem:$0x3F9A];
	s0 =	simm.s32 @p1 $0x1  }
0x15: {  	[smem:$0x3FB7] =	sst s0;
	s0 =	simm.s32 @!p2 $0x0  }
0x16: {  	s3 =	sld [smem:$0x3FDB];
	s0 =	simm.s32 @p2 $0x1  }
0x17: {  	s4 =	simm.s32 $0x1BF5;
	[smem:$0x3FB9] =	sst s0  }
0x18: {  	s0 =	sld [smem:$0x3F9C];
	_ =	swait.ge [sflag:s4], $0x0  }
0x19: {  	s7 =	sld [smem:$0x3F9D]  }
0x1a: {  	s8 =	sadd.s32 $0xFFFFE003, lr  }
0x1b: {  	s9 =	sadd.s32 $0xFFFFFEF7, lr;
	s5 =	simm.s32 $0xFFFFFFFF;
	p2 =	slt.u32 s8, $0xFFFFF086  }
0x1c: {  	p1 =	slt.u32 s9, $0xF7A;
	s5 =	simm.s32 @!p2 $0x0  }
0x1d: {  	s5 =	simm.s32 @p1 $0x1;
	p0 =	seq.s32 s7, s2  }
0x1e: {  	s7 =	smul.u32 @!p0 $0xF7A, s2;
	p2 =	seq.s32 @!p0 s5, $0x0  }
0x1f: {  	s9 =	smul.u32 $0xF7A, s1;
	s8 =	simm.s32 @!p0 $0x1BF5;
	p2 =	por !p2, p0  }
0x20: {  	[sflag:s8] =	ssyncset.s32 @!p0 $0xFFFFF086;
	s6 =	sadd.s32 @!p0 s3, s7;
	s7 =	simm.s32 @!p0 $0x108  }
0x21: {  	s3 =	sadd.s32 s3, s9;
	s6 =	sadd.s32 @!p0 $0x88, s6;
	s7 =	simm.s32 @p2 $0x1082  }
0x22: {  	[simem:s7], [sflag:s8] =	dma.local @!p0 [hbm:s6], $0xF7A  }
0x23: {  	s9 =	sor.u32 $0xD0000000, s2;
	s6 =	simm.s32 $0x108;
	_ =	swait.ge @!p0 [sflag:s8], $0x0  }
0x24: {  	s3 =	sadd.s32 $0x88, s3;
	s6 =	simm.s32 @!p1 $0x1082;
	[sflag:s4] =	ssyncset.s32 $0xFFFFF086  }
0x25: {  	[simem:s6], [sflag:s4] =	dma.local [hbm:s3], $0xF7A  }
0x26: {  	[smem:$0x3F9D] =	sst s1;
	(tag) =	ssettag s2;
	_ =	strace s9  }
0x27: {  	s1 =	sld [smem:$0x3FAD]  }
0x28: {  	s2 =	sld [smem:$0x3FAE]  }
0x29: {  	s4 =	sld [smem:$0x3FB0]  }
0x2a: {  	p0 =	seq.s32 s5, $0x0;
	s5 =	sld [smem:$0x3FB1]  }
0x2b: {  	s6 =	sld [smem:$0x3FB2]  }
0x2c: {  	s7 =	sld [smem:$0x3FB3]  }
0x2d: {  	s3 =	simm.s32 $0x108;
	s8 =	sld [smem:$0x3FB4]  }
0x2e: {  	s3 =	simm.s32 @!p0 $0x1082;
	s9 =	sld [smem:$0x3FB5]  }
0x2f: {  	lr =	sadd.s32 s0, s3;
	s0 =	sld [smem:$0x3FAC]  }
0x30: {  	s3 =	sld [smem:$0x3FAF]  }
0x31: {  	[smem:$0x3FB8] =	sst s10  }
0x32: {  	s10 =	sld [smem:$0x3FB6];
	_ =	sdelay $0x3  }
0x33: {  	p0 =	seq.s32 s10, $0x1;
	s10 =	sld [smem:$0x3FB8];
	_ =	sdelay $0x3  }
0x34: {  	[smem:$0x3FB8] =	sst s10  }
0x35: {  	s10 =	sld [smem:$0x3FB7];
	_ =	sdelay $0x3  }
0x36: {  	p1 =	seq.s32 s10, $0x1;
	s10 =	sld [smem:$0x3FB8];
	_ =	sdelay $0x3  }
0x37: {  	[smem:$0x3FB8] =	sst s10  }
0x38: {  	s10 =	sld [smem:$0x3FB9]  }
0x39: {  	_ = 	snop;
	(pc) =	sbr.ind lr, $3  }
0x3a: {  	_ = 	snop  }
0x3b: {  	_ = 	snop  }
0x3c: {  	p2 =	seq.s32 s10, $0x1;
	s10 =	sld [smem:$0x3FB8]  }
0x3d: {  	_ =	shalt  }
0x3e: {  	_ =	shalt  }
0x3f: {  	_ =	shalt  }
0x40: {  	_ =	shalt  }
0x41: {  	_ =	shalt  }
0x42: {  	_ =	shalt  }
0x43: {  	_ =	shalt  }
0x44: {  	_ =	shalt  }
0x45: {  	_ =	shalt  }
0x46: {  	_ =	shalt  }
0x47: {  	_ =	shalt  }
0x48: {  	_ =	shalt  }
0x49: {  	_ =	shalt  }
0x4a: {  	_ =	shalt  }
0x4b: {  	_ =	shalt  }
0x4c: {  	_ =	shalt  }
0x4d: {  	_ =	shalt  }
0x4e: {  	_ =	shalt  }
0x4f: {  	_ =	shalt  }
0x50: {  	_ =	shalt  }
0x51: {  	_ =	shalt  }
0x52: {  	_ =	shalt  }
0x53: {  	_ =	shalt  }
0x54: {  	_ =	shalt  }
0x55: {  	_ =	shalt  }
0x56: {  	_ =	shalt  }
0x57: {  	_ =	shalt  }
0x58: {  	_ =	shalt  }
0x59: {  	_ =	shalt  }
0x5a: {  	_ =	shalt  }
0x5b: {  	_ =	shalt  }
0x5c: {  	_ =	shalt  }
0x5d: {  	_ =	shalt  }
0x5e: {  	_ =	shalt  }
0x5f: {  	_ =	shalt  }
0x60: {  	_ =	shalt  }
0x61: {  	_ =	shalt  }
0x62: {  	_ =	shalt  }
0x63: {  	_ =	shalt  }
0x64: {  	_ =	shalt  }
0x65: {  	_ =	shalt  }
0x66: {  	_ =	shalt  }
0x67: {  	_ =	shalt  }
0x68: {  	_ =	shalt  }
0x69: {  	_ =	shalt  }
0x6a: {  	_ =	shalt  }
0x6b: {  	_ =	shalt  }
0x6c: {  	_ =	shalt  }
0x6d: {  	_ =	shalt  }
0x6e: {  	_ =	shalt  }
0x6f: {  	_ =	shalt  }
0x70: {  	_ =	shalt  }
0x71: {  	_ =	shalt  }
0x72: {  	_ =	shalt  }
0x73: {  	_ =	shalt  }
0x74: {  	_ =	shalt  }
0x75: {  	_ =	shalt  }
0x76: {  	_ =	shalt  }
0x77: {  	_ =	shalt  }
0x78: {  	_ =	shalt  }
0x79: {  	_ =	shalt  }
0x7a: {  	_ =	shalt  }
0x7b: {  	_ =	shalt  }
0x7c: {  	_ =	shalt  }
0x7d: {  	_ =	shalt  }
0x7e: {  	_ =	shalt  }
0x7f: {  	_ =	shalt  }
0x80: {  	_ =	shalt  }
0x81: {  	_ =	shalt  }
0x82: {  	_ =	shalt  }
0x83: {  	_ =	shalt  }
0x84: {  	_ =	shalt  }
0x85: {  	_ =	shalt  }
0x86: {  	_ =	shalt  }
0x87: {  	_ =	shalt  }
.Lfunc_end0:
.L_simem_size_0:
called_computation.1_lowered:
.L_overlay_start_0:
0x88: {  	s2 =	sld [smem:$0x3FD9]  }
0x89: {  	s3 =	sld [smem:$0x3FFE];
	_ =	sdelay $0x1  }
0x8a: {  	s1 =	srdreg.scid  }
0x8b: {  	s0 =	sand.u32 $0x1, s1  }
0x8c: {  	s17 =	sshll.u32 s0, $0xA;
	s2 =	sadd.s32 s3, s2  }
0x8d: {  	s2 =	sadd.s32 s2, s17  }
0x8e: {  	[smem:$0x3FC4] =	sst s2  }
0x8f: {  	_ = 	snop  }
0x90: {  	s2 =	sld [smem:$0x3FD0];
	(tm) =	ssettm $0x1  }
0x91: {  	s18 =	sld [smem:$0x3FFB];
	_ =	sdelay $0x3  }
0x92: {  	_ =	strace s18  }
0x93: {  	s3 =	sld [smem:$0x3FFC];
	_ =	sdelay $0x3  }
0x94: {  	_ =	strace s3  }
0x95: {  	s3 =	sld [smem:$0x3FFD];
	_ =	sdelay $0x3  }
0x96: {  	_ =	strace s3  }
0x97: {  	_ =	strace $0x8FFFFFFF  }
0x98: {  	s19 =	sld [smem:$0x3FDB];
	_ =	sdelay $0x1  }
0x99: {  	s4 =	simm.s32 $_scs_section_size  }
0x9a: {  	s5 =	simm.s32 $_size__tile_overlayer_lowered;
	s6 =	simm.s32 $_tile_overlayer_lowered  }
0x9b: {  	s22 =	simm.s32 $0x1BFF;
	s21 =	sshll.u32 s6, $0x1;
	s3 =	sadd.s32 s4, s19  }
0x9c: {  	s7 =	simm.s32 $0x0;
	s20 =	sshll.u32 s5, $0x1;
	s5 =	sadd.s32 s21, s3  }
0x9d: {  	[timem:s7], [sflag:s22] =	dma.local [hbm:s5], s20  }
0x9e: {  	_ =	swait.ge [sflag:s22], s20  }
0x9f: {  	s4 =	ssub.s32 $0x0, s20;
	[sflag:s22] =	ssyncset.done $0x0  }
0xa0: {  	[sflag:s22] =	ssyncadd.s32 s4;
	_ =	sdelay $0x1  }
0xa1: {  	s23 =	simm.s32 $0x1B8B  }
0xa2: {  	_ =	swait.ge [sflag:s23], $0x1  }
0xa3: {  	[sflag:s23] =	ssyncset.done $0x0  }
0xa4: {  	s25 =	simm.s32 $0x1B8E;
	s24 =	sld [smem:$0x3FFE];
	[sflag:s23] =	ssyncadd.s32 $0xFFFFFFFF  }
0xa5: {  	s26 =	simm.s32 $execute0_lowered;
	[smem:$0x3FD2] =	sst s25  }
0xa6: {  	s5 =	sshll.u32 s26, $0x1;
	_ =	strace $0x80000049;
	[dreg:$0x1] =	wrdreg $0xFFFFFFFF  }
0xa7: {  	s28 =	simm.s32 $_size_execute0_lowered;
	s3 =	sadd.s32 s3, s5;
	[dreg:$0x0] =	wrdreg $0x0  }
0xa8: {  	s5 =	sshll.u32 s28, $0x1;
	[dreg:$0x2] =	wrdreg s3  }
0xa9: {  	[dreg:$0x3] =	wrdreg s5  }
0xaa: {  	[dreg:$0x4] =	wrdreg $0xC0  }
0xab: {  	_ =	task [dreg:s7], $0x5FFFF  }
0xac: {  	[dreg:$0x1] =	wrdreg $0xFFFFFFFF  }
0xad: {  	[dreg:$0x0] =	wrdreg $0x60  }
0xae: {  	[dreg:$0x2] =	wrdreg s24  }
0xaf: {  	[dreg:$0x3] =	wrdreg s2  }
0xb0: {  	[dreg:$0x4] =	wrdreg $0x9  }
0xb1: {  	_ =	task.clear_ibuf [dreg:s7], $0x5FFFF;
	_ =	strace $0x90000049  }
0xb2: {  	s29 =	simm.s32 $0x9;
	_ =	strace $0x8000004B  }
0xb3: {  	_ =	swait.ge [sflag:s29], $0x1  }
0xb4: {  	[sflag:s29] =	ssyncadd.s32 $0xFFFFFFFF  }
0xb5: {  	_ =	strace $0x9000004B  }
0xb6: {  	_ =	sfence  }
0xb7: {  	s30 =	sld [smem:$0x0];
	_ =	sdelay $0x2  }
0xb8: {  	s31 =	sshll.u32 s1, $0xD;
	s1 =	sshrl.u32 s1, $0x2  }
0xb9: {  	s3 =	sand.u32 $0x4000, s31;
	s1 =	sadd.s32 s1, s30  }
0xba: {  	s0 =	sor.u32 s3, s0;
	s1 =	sshll.u32 s1, $0x11  }
0xbb: {  	s0 =	sor.u32 s1, s0  }
0xbc: {  	s0 =	sadd.s32 $0x8F2B, s0  }
0xbd: {  	[sflag:s0] =	ssyncadd.remote.s32 $0x1  }
0xbe: {  	_ =	sfence.sel $0xFFFF  }
0xbf: {  	[dreg:$0x0] =	wrdreg $0xFFFFFFFF;
	(pc) =	sbr.abs _section_cstart, $3  }
0xc0: {  	[dreg:$0x1] =	wrdreg $0xFFFFFFFF  }
0xc1: {  	_ =	task.clear_ibuf [dreg:s7], $0x2FFFF;
	_ =	strace $0x9FFFFFFF  }
0xc2: {  	(tm) =	ssettm $0x7FFFFFFF  }
0xc3: {  	_ =	shalt  }
tec
execute0_lowered:
.L_overlay_start_1:
0x0: {  	(tag) =	ssettag $0x1  }
0x1: {  	s2 =	rddreg [dreg:$0x0]  }
0x2: {  	s3 =	rddreg [dreg:$0x1]  }
0x3: {  	s0 =	rddreg [dreg:$0x2];
	s1 =	srdreg.scid;
	_ =	strace $0x8000004A  }
0x4: {  	s4 =	simm.s32 $0x1;
	s9 =	simm.s32 $0x3;
	s5 =	sshll.u32 s1, $0x4  }
.Ltmp0:
0x5: {  	s1 =	stileid.u32;
	s5 =	sand.u32 $0x10, s5;
	(pc) =	sbr.rel .LBB2_1-.Ltmp0, $4  }
0x6: {  	s12 =	simm.s32 $0x0;
	s10 =	simm.s32 $0x0;
	s6 =	sor.u32 s1, s5  }
0x7: {  	[sflag:s4] =	ssyncpa.u1 $0x0;
	s5 =	simm.s32 $0x2;
	s6 =	sshll.u32 s6, $0x8  }
0x8: {  	s7 =	sadd.s32 $0x20600, s2;
	[sflag:s5] =	ssyncpa.u1 $0x0;
	s8 =	sadd.s32 $0x100, s6  }
0x9: {  	vm0 =	vmmov $0xff;
	vm1 =	vcmask $0x3F20;
	[sflag:s9] =	ssyncpa.u1 $0x0;
	s9 =	simm.s32 $0x100;
	s11 =	smov.u32 s6  }
.LBB2_9:
0xa: {  	p0 =	seq.s32 s10, $0x2  }
.Ltmp1:
0xb: {  	_ = 	snop;
	(pc) =	sbr.rel @p0 .LBB2_11-.Ltmp1, $1  }
0xc: {  	_ =	sdelay $0x3  }
.LBB2_10:
0xd: {  	s12 =	sadd.s32 $0x100, s11  }
0xe: {  	s13 =	smov.u32 s6;
	p0 =	slt.s32 s12, s8  }
0xf: {  	s13 =	smov.u32 @p0 s12  }
0x10: {  	s10 =	sadd.s32 $0x1, s10;
	s12 =	smov.u32 s11;
	s11 =	smov.u32 s13  }
.LBB2_1:
0x11: {  	p0 =	sne.s32 s10, $0x0  }
.Ltmp2:
0x12: {  	_ = 	snop;
	(pc) =	sbr.rel @!p0 .LBB2_2-.Ltmp2, $1  }
0x13: {  	_ =	sdelay $0x3  }
0x14: {  	s13 =	sand.u32 $0x1, s10  }
0x15: {  	p0 =	seq.s32 s13, $0x0  }
.Ltmp3:
0x16: {  	_ = 	snop;
	(pc) =	sbr.rel @p0 .LBB2_9-.Ltmp3, $1  }
0x17: {  	_ =	sdelay $0x3  }
0x18: {  	_ =	swait.ge [sflag:s5], $0x100  }
0x19: {  	[sflag:s5] =	ssyncset.done $0x0  }
0x1a: {  	s13 =	simm.s32 $0x0;
	[sflag:s5] =	ssyncadd.s32 $0xFFFFFF00  }
0x1b: {  	v0 =	vld.msk [tilespmem:s13+$0x100 ss:$0x1], $0xffff;
	_ =	sdelay $0x4  }
0x1c: {  	vm2 =	vgt.s32 v0, $0x0  }
0x1d: {  	v0 =	vnsel vm2, $0x0, v0  }
0x1e: {  	v0 =	vmin.u32 v0, $0x1FFF  }
0x1f: {  	v0 =	vshll.u32 v0, $0x4;
	_ =	sdelay $0x3  }
0x20: {  	s13 =	simm.s32 $0x8200  }
0x21: {  	[tilespmem:s13], [sflag:$0x1] =	stream.indirect_vreg.gather [hbm:s7], $0x80, v0, vm0, $0x38;
	[tilespmem:$0x10200] =	vst v63  }
0x22: {  	s14 =	simm.s32 $0x8600;
	s31 =	simm.s32 $0x10  }
0x23: {  	[tilespmem:s14], [sflag:$0x1] =	stream.indirect_vreg.gather [hbm:s7], $0x80, v0, vm1, $0x38;
	[tilespmem:$0x10200] =	vst v63  }
0x24: {  	s14 =	simm.s32 $0x80;
	v0 =	vld.msk [tilespmem:s31+$0x100 ss:$0x1], $0xffff  }
.LBB2_5:
0x25: {  	p0 =	sne.s32 s14, $0x3C0;
	_ =	sdelay $0x4  }
0x26: {  	vm2 =	vgt.s32 v0, $0x0  }
0x27: {  	v0 =	vnsel vm2, $0x0, v0  }
0x28: {  	v0 =	vmin.u32 v0, $0x1FFF  }
0x29: {  	v0 =	vshll.u32 v0, $0x4;
	_ =	sdelay $0x3  }
.Ltmp4:
0x2a: {  	s13 =	sadd.s32 $0x800, s13;
	(pc) =	sbr.rel @p0 .LBB2_5-.Ltmp4, $4  }
0x2b: {  	[tilespmem:s13], [sflag:$0x1] =	stream.indirect_vreg.gather [hbm:s7], $0x80, v0, vm0, $0x38;
	[tilespmem:$0x10200] =	vst v63  }
0x2c: {  	s15 =	sshra.s32 s14, $0x2;
	s16 =	sadd.s32 $0x400, s13  }
0x2d: {  	[tilespmem:s16], [sflag:$0x1] =	stream.indirect_vreg.gather [hbm:s7], $0x80, v0, vm1, $0x38;
	[tilespmem:$0x10200] =	vst v63  }
0x2e: {  	s14 =	sadd.s32 $0x40, s14;
	v0 =	vld.msk [tilespmem:s15+$0x100 ss:$0x1], $0xffff  }
0x2f: {  	_ =	sdelay $0x3  }
0x30: {  	vm2 =	vgt.s32 v0, $0x0  }
0x31: {  	v0 =	vnsel vm2, $0x0, v0  }
0x32: {  	v0 =	vmin.u32 v0, $0x1FFF  }
0x33: {  	v0 =	vshll.u32 v0, $0x4;
	_ =	sdelay $0x3  }
0x34: {  	s13 =	sadd.s32 $0x800, s13  }
0x35: {  	[tilespmem:s13], [sflag:$0x1] =	stream.indirect_vreg.gather [hbm:s7], $0x80, v0, vm0, $0x38;
	[tilespmem:$0x10200] =	vst v63  }
0x36: {  	s13 =	sadd.s32 $0x400, s13  }
0x37: {  	[tilespmem:s13], [sflag:$0x1] =	stream.indirect_vreg.gather [hbm:s7], $0x80, v0, vm1, $0x38;
	[tilespmem:$0x10200] =	vst v63  }
0x38: {  	s12 =	sshll.u32 s12, $0x4;
	s14 =	simm.s32 $0x80;
	_ =	swait.ge [sflag:s4], $0x8000  }
0x39: {  	s15 =	simm.s32 $0x8600;
	s12 =	sadd.s32 s12, s3;
	[sflag:s4] =	ssyncset.done $0x0  }
0x3a: {  	s16 =	sadd.s32 $0x0, s12;
	s13 =	simm.s32 $0x8200;
	[sflag:s4] =	ssyncadd.s32 $0xFFFF8000  }
.LBB2_7:
0x3b: {  	[hbm:s16] =	stream.linear.scatter [tilespmem:s13], [sflag:$0x3], $0x400, $0x38;
	[tilespmem:$0x10200] =	vst v63  }
0x3c: {  	s16 =	smov.u32 s14;
	s13 =	smov.u32 s15;
	p0 =	sne.s32 s14, $0xF80  }
.Ltmp5:
0x3d: {  	s14 =	sadd.s32 $0x80, s14;
	(pc) =	sbr.rel @p0 .LBB2_7-.Ltmp5, $2  }
0x3e: {  	_ =	sdelay $0x2  }
0x3f: {  	s15 =	sadd.s32 $0x400, s15;
	s16 =	sadd.s32 s16, s12  }
.Ltmp6:
0x40: {  	(pc) =	sbr.rel .LBB2_9-.Ltmp6, $2  }
0x41: {  	_ =	sdelay $0x2  }
0x42: {  	[hbm:s16] =	stream.linear.scatter [tilespmem:s13], [sflag:$0x3], $0x400, $0x38;
	[tilespmem:$0x10200] =	vst v63  }
.LBB2_2:
.Ltmp7:
0x43: {  	(pc) =	sbr.rel .LBB2_10-.Ltmp7, $4  }
0x44: {  	_ = 	snop  }
0x45: {  	s12 =	sshrl.u32 s11, $0x3  }
0x46: {  	s13 =	sand.u32 $0x7, s11;
	s12 =	sadd.s32 s2, s12  }
0x47: {  	[tilespmem:s9], [sflag:$0x2] =	stream.linear.gather [hbm4b:s12+s13], $0x100, $0x38;
	[tilespmem:$0x10200] =	vst v63  }
.LBB2_11:
0x48: {  	s2 =	simm.s32 $0x3  }
0x49: {  	_ =	swait.ge [sflag:s2], $0x8000  }
0x4a: {  	[sflag:s2] =	ssyncset.done $0x0  }
0x4b: {  	[sflag:s2] =	ssyncadd.s32 $0xFFFF8000  }
0x4c: {  	_ =	sfence.sel $0x180000  }
0x4d: {  	s3 =	simm.s32 $0x2;
	[bflag:$0x0] =	sbarrier.arrive $0xFFFF  }
0x4e: {  	[sflag:s3] =	ssyncpa.u1 $0x1  }
0x4f: {  	s31 =	simm.s32 $0x1;
	[sflag:s2] =	ssyncpa.u1 $0x1  }
0x50: {  	[sflag:s31] =	ssyncpa.u1 $0x1  }
0x51: {  	p0 =	sne.s32 s1, $0x0;
	_ =	strace $0x9000004A  }
0x52: {  	s0 =	sadd.s32 @!p0 $0x100000, s0;
	[bflag:$0x2] =	sbarrier.arrive $0xFFFF  }
0x53: {  	[sflag:s0] =	ssyncadd.tile.s32 @!p0 $0x1;
	_ =	shalt  }
.Lfunc_end2:
_tile_overlayer_lowered:
.L_overlay_start_2:
0x54: {  	(tag) =	ssettag $0x2  }
0x55: {  	s0 =	rddreg [dreg:$0x0];
	s2 =	stileid.u32  }
0x56: {  	s1 =	rddreg [dreg:$0x1];
	p0 =	sne.s32 s2, $0x0  }
0x57: {  	s3 =	rddreg [dreg:$0x2];
	[bflag:$0x3] =	sbarrier.arrive $0xFFFF;
	s2 =	simm.s32 @!p0 $0x1C01  }
0x58: {  	[timem:s3], [sflag:s2] =	dma.local @!p0 [hbm:s0], s1  }
0x59: {  	s0 =	simm.s32 @!p0 $0x1  }
0x5a: {  	_ =	swait.ge @!p0 [sflag:s0], s1  }
0x5b: {  	s1 =	ssub.s32 @!p0 $0x0, s1;
	[sflag:s0] =	ssyncset.done @!p0 $0x0  }
0x5c: {  	[sflag:s0] =	ssyncadd.s32 @!p0 s1  }
0x5d: {  	[bflag:$0x3] =	sbarrier.arrive $0xFFFF  }
0x5e: {  	_ =	shalt  }

// kernel: gather_offload_async_start
scs
__scs_entry_jumppad:
0x0: {  	(pc) =	sbr.rel $0x88, $3  }
0x1: {  	(tag) =	ssettag $0x0;
	lr =	simm.s32 $0x1  }
0x2: {  	[smem:$0x3F9D] =	sst lr;
	_ =	strace $0xD0000000  }
0x3: {  	_ = 	snop  }
0x4: {  	_ = 	snop  }
0x5: {  	_ = 	snop  }
0x6: {  	_ = 	snop  }
0x7: {  	_ = 	snop  }
__scs_overlays_trampoline_lowered:
0x8: {  	[smem:$0x3FAC] =	sst s0  }
0x9: {  	[smem:$0x3FAD] =	sst s1  }
0xa: {  	[smem:$0x3FAE] =	sst s2  }
0xb: {  	[smem:$0x3FAF] =	sst s3  }
0xc: {  	[smem:$0x3FB0] =	sst s4  }
0xd: {  	[smem:$0x3FB1] =	sst s5  }
0xe: {  	[smem:$0x3FB2] =	sst s6  }
0xf: {  	[smem:$0x3FB3] =	sst s7  }
0x10: {  	[smem:$0x3FB4] =	sst s8  }
0x11: {  	[smem:$0x3FB5] =	sst s9;
	s0 =	simm.s32 @!p0 $0x0  }
0x12: {  	s1 =	sld [smem:$0x3F9B];
	s0 =	simm.s32 @p0 $0x1  }
0x13: {  	[smem:$0x3FB6] =	sst s0;
	s0 =	simm.s32 @!p1 $0x0  }
0x14: {  	s2 =	sld [smem:$0x3F9A];
	s0 =	simm.s32 @p1 $0x1  }
0x15: {  	[smem:$0x3FB7] =	sst s0;
	s0 =	simm.s32 @!p2 $0x0  }
0x16: {  	s3 =	sld [smem:$0x3FDB];
	s0 =	simm.s32 @p2 $0x1  }
0x17: {  	s4 =	simm.s32 $0x1BF5;
	[smem:$0x3FB9] =	sst s0  }
0x18: {  	s0 =	sld [smem:$0x3F9C];
	_ =	swait.ge [sflag:s4], $0x0  }
0x19: {  	s7 =	sld [smem:$0x3F9D]  }
0x1a: {  	s8 =	sadd.s32 $0xFFFFE003, lr  }
0x1b: {  	s9 =	sadd.s32 $0xFFFFFEF7, lr;
	s5 =	simm.s32 $0xFFFFFFFF;
	p2 =	slt.u32 s8, $0xFFFFF086  }
0x1c: {  	p1 =	slt.u32 s9, $0xF7A;
	s5 =	simm.s32 @!p2 $0x0  }
0x1d: {  	s5 =	simm.s32 @p1 $0x1;
	p0 =	seq.s32 s7, s2  }
0x1e: {  	s7 =	smul.u32 @!p0 $0xF7A, s2;
	p2 =	seq.s32 @!p0 s5, $0x0  }
0x1f: {  	s9 =	smul.u32 $0xF7A, s1;
	s8 =	simm.s32 @!p0 $0x1BF5;
	p2 =	por !p2, p0  }
0x20: {  	[sflag:s8] =	ssyncset.s32 @!p0 $0xFFFFF086;
	s6 =	sadd.s32 @!p0 s3, s7;
	s7 =	simm.s32 @!p0 $0x108  }
0x21: {  	s3 =	sadd.s32 s3, s9;
	s6 =	sadd.s32 @!p0 $0x88, s6;
	s7 =	simm.s32 @p2 $0x1082  }
0x22: {  	[simem:s7], [sflag:s8] =	dma.local @!p0 [hbm:s6], $0xF7A  }
0x23: {  	s9 =	sor.u32 $0xD0000000, s2;
	s6 =	simm.s32 $0x108;
	_ =	swait.ge @!p0 [sflag:s8], $0x0  }
0x24: {  	s3 =	sadd.s32 $0x88, s3;
	s6 =	simm.s32 @!p1 $0x1082;
	[sflag:s4] =	ssyncset.s32 $0xFFFFF086  }
0x25: {  	[simem:s6], [sflag:s4] =	dma.local [hbm:s3], $0xF7A  }
0x26: {  	[smem:$0x3F9D] =	sst s1;
	(tag) =	ssettag s2;
	_ =	strace s9  }
0x27: {  	s1 =	sld [smem:$0x3FAD]  }
0x28: {  	s2 =	sld [smem:$0x3FAE]  }
0x29: {  	s4 =	sld [smem:$0x3FB0]  }
0x2a: {  	p0 =	seq.s32 s5, $0x0;
	s5 =	sld [smem:$0x3FB1]  }
0x2b: {  	s6 =	sld [smem:$0x3FB2]  }
0x2c: {  	s7 =	sld [smem:$0x3FB3]  }
0x2d: {  	s3 =	simm.s32 $0x108;
	s8 =	sld [smem:$0x3FB4]  }
0x2e: {  	s3 =	simm.s32 @!p0 $0x1082;
	s9 =	sld [smem:$0x3FB5]  }
0x2f: {  	lr =	sadd.s32 s0, s3;
	s0 =	sld [smem:$0x3FAC]  }
0x30: {  	s3 =	sld [smem:$0x3FAF]  }
0x31: {  	[smem:$0x3FB8] =	sst s10  }
0x32: {  	s10 =	sld [smem:$0x3FB6];
	_ =	sdelay $0x3  }
0x33: {  	p0 =	seq.s32 s10, $0x1;
	s10 =	sld [smem:$0x3FB8];
	_ =	sdelay $0x3  }
0x34: {  	[smem:$0x3FB8] =	sst s10  }
0x35: {  	s10 =	sld [smem:$0x3FB7];
	_ =	sdelay $0x3  }
0x36: {  	p1 =	seq.s32 s10, $0x1;
	s10 =	sld [smem:$0x3FB8];
	_ =	sdelay $0x3  }
0x37: {  	[smem:$0x3FB8] =	sst s10  }
0x38: {  	s10 =	sld [smem:$0x3FB9]  }
0x39: {  	_ = 	snop;
	(pc) =	sbr.ind lr, $3  }
0x3a: {  	_ = 	snop  }
0x3b: {  	_ = 	snop  }
0x3c: {  	p2 =	seq.s32 s10, $0x1;
	s10 =	sld [smem:$0x3FB8]  }
0x3d: {  	_ =	shalt  }
0x3e: {  	_ =	shalt  }
0x3f: {  	_ =	shalt  }
0x40: {  	_ =	shalt  }
0x41: {  	_ =	shalt  }
0x42: {  	_ =	shalt  }
0x43: {  	_ =	shalt  }
0x44: {  	_ =	shalt  }
0x45: {  	_ =	shalt  }
0x46: {  	_ =	shalt  }
0x47: {  	_ =	shalt  }
0x48: {  	_ =	shalt  }
0x49: {  	_ =	shalt  }
0x4a: {  	_ =	shalt  }
0x4b: {  	_ =	shalt  }
0x4c: {  	_ =	shalt  }
0x4d: {  	_ =	shalt  }
0x4e: {  	_ =	shalt  }
0x4f: {  	_ =	shalt  }
0x50: {  	_ =	shalt  }
0x51: {  	_ =	shalt  }
0x52: {  	_ =	shalt  }
0x53: {  	_ =	shalt  }
0x54: {  	_ =	shalt  }
0x55: {  	_ =	shalt  }
0x56: {  	_ =	shalt  }
0x57: {  	_ =	shalt  }
0x58: {  	_ =	shalt  }
0x59: {  	_ =	shalt  }
0x5a: {  	_ =	shalt  }
0x5b: {  	_ =	shalt  }
0x5c: {  	_ =	shalt  }
0x5d: {  	_ =	shalt  }
0x5e: {  	_ =	shalt  }
0x5f: {  	_ =	shalt  }
0x60: {  	_ =	shalt  }
0x61: {  	_ =	shalt  }
0x62: {  	_ =	shalt  }
0x63: {  	_ =	shalt  }
0x64: {  	_ =	shalt  }
0x65: {  	_ =	shalt  }
0x66: {  	_ =	shalt  }
0x67: {  	_ =	shalt  }
0x68: {  	_ =	shalt  }
0x69: {  	_ =	shalt  }
0x6a: {  	_ =	shalt  }
0x6b: {  	_ =	shalt  }
0x6c: {  	_ =	shalt  }
0x6d: {  	_ =	shalt  }
0x6e: {  	_ =	shalt  }
0x6f: {  	_ =	shalt  }
0x70: {  	_ =	shalt  }
0x71: {  	_ =	shalt  }
0x72: {  	_ =	shalt  }
0x73: {  	_ =	shalt  }
0x74: {  	_ =	shalt  }
0x75: {  	_ =	shalt  }
0x76: {  	_ =	shalt  }
0x77: {  	_ =	shalt  }
0x78: {  	_ =	shalt  }
0x79: {  	_ =	shalt  }
0x7a: {  	_ =	shalt  }
0x7b: {  	_ =	shalt  }
0x7c: {  	_ =	shalt  }
0x7d: {  	_ =	shalt  }
0x7e: {  	_ =	shalt  }
0x7f: {  	_ =	shalt  }
0x80: {  	_ =	shalt  }
0x81: {  	_ =	shalt  }
0x82: {  	_ =	shalt  }
0x83: {  	_ =	shalt  }
0x84: {  	_ =	shalt  }
0x85: {  	_ =	shalt  }
0x86: {  	_ =	shalt  }
0x87: {  	_ =	shalt  }
.Lfunc_end0:
.L_simem_size_0:
called_computation_lowered:
.L_overlay_start_0:
0x88: {  	s2 =	sld [smem:$0x3FD9]  }
0x89: {  	s3 =	sld [smem:$0x3FFE];
	_ =	sdelay $0x1  }
0x8a: {  	s1 =	srdreg.scid  }
0x8b: {  	s0 =	sand.u32 $0x1, s1  }
0x8c: {  	s17 =	sshll.u32 s0, $0xA;
	s2 =	sadd.s32 s3, s2  }
0x8d: {  	s2 =	sadd.s32 s2, s17  }
0x8e: {  	[smem:$0x3FC4] =	sst s2  }
0x8f: {  	_ = 	snop  }
0x90: {  	s2 =	sld [smem:$0x3FD0];
	(tm) =	ssettm $0x1  }
0x91: {  	s18 =	sld [smem:$0x3FFB];
	_ =	sdelay $0x3  }
0x92: {  	_ =	strace s18  }
0x93: {  	s3 =	sld [smem:$0x3FFC];
	_ =	sdelay $0x3  }
0x94: {  	_ =	strace s3  }
0x95: {  	s3 =	sld [smem:$0x3FFD];
	_ =	sdelay $0x3  }
0x96: {  	_ =	strace s3  }
0x97: {  	_ =	strace $0x8FFFFFFF  }
0x98: {  	s19 =	sld [smem:$0x3FDB];
	_ =	sdelay $0x1  }
0x99: {  	s4 =	simm.s32 $_scs_section_size  }
0x9a: {  	s5 =	simm.s32 $_size__tile_overlayer_lowered;
	s6 =	simm.s32 $_tile_overlayer_lowered  }
0x9b: {  	s22 =	simm.s32 $0x1BFF;
	s21 =	sshll.u32 s6, $0x1;
	s3 =	sadd.s32 s4, s19  }
0x9c: {  	s7 =	simm.s32 $0x0;
	s20 =	sshll.u32 s5, $0x1;
	s5 =	sadd.s32 s21, s3  }
0x9d: {  	[timem:s7], [sflag:s22] =	dma.local [hbm:s5], s20  }
0x9e: {  	_ =	swait.ge [sflag:s22], s20  }
0x9f: {  	s4 =	ssub.s32 $0x0, s20;
	[sflag:s22] =	ssyncset.done $0x0  }
0xa0: {  	[sflag:s22] =	ssyncadd.s32 s4;
	_ =	sdelay $0x1  }
0xa1: {  	s23 =	simm.s32 $0x1B8B  }
0xa2: {  	_ =	swait.ge [sflag:s23], $0x1  }
0xa3: {  	[sflag:s23] =	ssyncset.done $0x0  }
0xa4: {  	s25 =	simm.s32 $0x1B8E;
	s24 =	sld [smem:$0x3FFE];
	[sflag:s23] =	ssyncadd.s32 $0xFFFFFFFF  }
0xa5: {  	s26 =	simm.s32 $execute0_lowered;
	[smem:$0x3FD2] =	sst s25  }
0xa6: {  	s5 =	sshll.u32 s26, $0x1;
	_ =	strace $0x80000046;
	[dreg:$0x1] =	wrdreg $0xFFFFFFFF  }
0xa7: {  	s28 =	simm.s32 $_size_execute0_lowered;
	s3 =	sadd.s32 s3, s5;
	[dreg:$0x0] =	wrdreg $0x0  }
0xa8: {  	s5 =	sshll.u32 s28, $0x1;
	[dreg:$0x2] =	wrdreg s3  }
0xa9: {  	[dreg:$0x3] =	wrdreg s5  }
0xaa: {  	[dreg:$0x4] =	wrdreg $0xC0  }
0xab: {  	_ =	task [dreg:s7], $0x5FFFF  }
0xac: {  	[dreg:$0x1] =	wrdreg $0xFFFFFFFF  }
0xad: {  	[dreg:$0x0] =	wrdreg $0x60  }
0xae: {  	[dreg:$0x2] =	wrdreg s2  }
0xaf: {  	[dreg:$0x3] =	wrdreg s24  }
0xb0: {  	[dreg:$0x4] =	wrdreg $0x9  }
0xb1: {  	_ =	task.clear_ibuf [dreg:s7], $0x5FFFF;
	_ =	strace $0x90000046  }
0xb2: {  	s29 =	simm.s32 $0x9;
	_ =	strace $0x80000048  }
0xb3: {  	_ =	swait.ge [sflag:s29], $0x1  }
0xb4: {  	[sflag:s29] =	ssyncadd.s32 $0xFFFFFFFF  }
0xb5: {  	_ =	strace $0x90000048  }
0xb6: {  	_ =	sfence  }
0xb7: {  	s30 =	sld [smem:$0x0];
	_ =	sdelay $0x2  }
0xb8: {  	s31 =	sshll.u32 s1, $0xD;
	s1 =	sshrl.u32 s1, $0x2  }
0xb9: {  	s3 =	sand.u32 $0x4000, s31;
	s1 =	sadd.s32 s1, s30  }
0xba: {  	s0 =	sor.u32 s3, s0;
	s1 =	sshll.u32 s1, $0x11  }
0xbb: {  	s0 =	sor.u32 s1, s0  }
0xbc: {  	s0 =	sadd.s32 $0x8F2B, s0  }
0xbd: {  	[sflag:s0] =	ssyncadd.remote.s32 $0x1  }
0xbe: {  	_ =	sfence.sel $0xFFFF  }
0xbf: {  	[dreg:$0x0] =	wrdreg $0xFFFFFFFF;
	(pc) =	sbr.abs _section_cstart, $3  }
0xc0: {  	[dreg:$0x1] =	wrdreg $0xFFFFFFFF  }
0xc1: {  	_ =	task.clear_ibuf [dreg:s7], $0x2FFFF;
	_ =	strace $0x9FFFFFFF  }
0xc2: {  	(tm) =	ssettm $0x7FFFFFFF  }
0xc3: {  	_ =	shalt  }
tec
execute0_lowered:
.L_overlay_start_1:
0x0: {  	(tag) =	ssettag $0x1  }
0x1: {  	s2 =	rddreg [dreg:$0x0]  }
0x2: {  	s3 =	rddreg [dreg:$0x1]  }
0x3: {  	s0 =	rddreg [dreg:$0x2];
	s1 =	srdreg.scid;
	_ =	strace $0x80000047  }
0x4: {  	s4 =	simm.s32 $0x1;
	s9 =	simm.s32 $0x3;
	s5 =	sshll.u32 s1, $0x4  }
.Ltmp0:
0x5: {  	s1 =	stileid.u32;
	s5 =	sand.u32 $0x10, s5;
	(pc) =	sbr.rel .LBB2_1-.Ltmp0, $4  }
0x6: {  	s12 =	simm.s32 $0x0;
	s10 =	simm.s32 $0x0;
	s6 =	sor.u32 s1, s5  }
0x7: {  	[sflag:s4] =	ssyncpa.u1 $0x0;
	s5 =	simm.s32 $0x2;
	s6 =	sshll.u32 s6, $0x8  }
0x8: {  	s7 =	sadd.s32 $0x400, s3;
	[sflag:s5] =	ssyncpa.u1 $0x0;
	s8 =	sadd.s32 $0x100, s6  }
0x9: {  	vm0 =	vmmov $0xff;
	vm1 =	vcmask $0x3F20;
	[sflag:s9] =	ssyncpa.u1 $0x0;
	s9 =	simm.s32 $0x100;
	s11 =	smov.u32 s6  }
.LBB2_9:
0xa: {  	p0 =	seq.s32 s10, $0x2  }
.Ltmp1:
0xb: {  	_ = 	snop;
	(pc) =	sbr.rel @p0 .LBB2_11-.Ltmp1, $1  }
0xc: {  	_ =	sdelay $0x3  }
.LBB2_10:
0xd: {  	s12 =	sadd.s32 $0x100, s11  }
0xe: {  	s13 =	smov.u32 s6;
	p0 =	slt.s32 s12, s8  }
0xf: {  	s13 =	smov.u32 @p0 s12  }
0x10: {  	s10 =	sadd.s32 $0x1, s10;
	s12 =	smov.u32 s11;
	s11 =	smov.u32 s13  }
.LBB2_1:
0x11: {  	p0 =	sne.s32 s10, $0x0  }
.Ltmp2:
0x12: {  	_ = 	snop;
	(pc) =	sbr.rel @!p0 .LBB2_2-.Ltmp2, $1  }
0x13: {  	_ =	sdelay $0x3  }
0x14: {  	s13 =	sand.u32 $0x1, s10  }
0x15: {  	p0 =	seq.s32 s13, $0x0  }
.Ltmp3:
0x16: {  	_ = 	snop;
	(pc) =	sbr.rel @p0 .LBB2_9-.Ltmp3, $1  }
0x17: {  	_ =	sdelay $0x3  }
0x18: {  	_ =	swait.ge [sflag:s5], $0x100  }
0x19: {  	[sflag:s5] =	ssyncset.done $0x0  }
0x1a: {  	s13 =	simm.s32 $0x0;
	[sflag:s5] =	ssyncadd.s32 $0xFFFFFF00  }
0x1b: {  	v0 =	vld.msk [tilespmem:s13+$0x100 ss:$0x1], $0xffff;
	_ =	sdelay $0x4  }
0x1c: {  	vm2 =	vgt.s32 v0, $0x0  }
0x1d: {  	v0 =	vnsel vm2, $0x0, v0  }
0x1e: {  	v0 =	vmin.u32 v0, $0x1FFF  }
0x1f: {  	v0 =	vshll.u32 v0, $0x4;
	_ =	sdelay $0x3  }
0x20: {  	s13 =	simm.s32 $0x8200  }
0x21: {  	[tilespmem:s13], [sflag:$0x1] =	stream.indirect_vreg.gather [hbm:s2], $0x80, v0, vm0, $0x38;
	[tilespmem:$0x10200] =	vst v63  }
0x22: {  	s14 =	simm.s32 $0x8600;
	s31 =	simm.s32 $0x10  }
0x23: {  	[tilespmem:s14], [sflag:$0x1] =	stream.indirect_vreg.gather [hbm:s2], $0x80, v0, vm1, $0x38;
	[tilespmem:$0x10200] =	vst v63  }
0x24: {  	s14 =	simm.s32 $0x80;
	v0 =	vld.msk [tilespmem:s31+$0x100 ss:$0x1], $0xffff  }
.LBB2_5:
0x25: {  	p0 =	sne.s32 s14, $0x3C0;
	_ =	sdelay $0x4  }
0x26: {  	vm2 =	vgt.s32 v0, $0x0  }
0x27: {  	v0 =	vnsel vm2, $0x0, v0  }
0x28: {  	v0 =	vmin.u32 v0, $0x1FFF  }
0x29: {  	v0 =	vshll.u32 v0, $0x4;
	_ =	sdelay $0x3  }
.Ltmp4:
0x2a: {  	s13 =	sadd.s32 $0x800, s13;
	(pc) =	sbr.rel @p0 .LBB2_5-.Ltmp4, $4  }
0x2b: {  	[tilespmem:s13], [sflag:$0x1] =	stream.indirect_vreg.gather [hbm:s2], $0x80, v0, vm0, $0x38;
	[tilespmem:$0x10200] =	vst v63  }
0x2c: {  	s15 =	sshra.s32 s14, $0x2;
	s16 =	sadd.s32 $0x400, s13  }
0x2d: {  	[tilespmem:s16], [sflag:$0x1] =	stream.indirect_vreg.gather [hbm:s2], $0x80, v0, vm1, $0x38;
	[tilespmem:$0x10200] =	vst v63  }
0x2e: {  	s14 =	sadd.s32 $0x40, s14;
	v0 =	vld.msk [tilespmem:s15+$0x100 ss:$0x1], $0xffff  }
0x2f: {  	_ =	sdelay $0x3  }
0x30: {  	vm2 =	vgt.s32 v0, $0x0  }
0x31: {  	v0 =	vnsel vm2, $0x0, v0  }
0x32: {  	v0 =	vmin.u32 v0, $0x1FFF  }
0x33: {  	v0 =	vshll.u32 v0, $0x4;
	_ =	sdelay $0x3  }
0x34: {  	s13 =	sadd.s32 $0x800, s13  }
0x35: {  	[tilespmem:s13], [sflag:$0x1] =	stream.indirect_vreg.gather [hbm:s2], $0x80, v0, vm0, $0x38;
	[tilespmem:$0x10200] =	vst v63  }
0x36: {  	s13 =	sadd.s32 $0x400, s13  }
0x37: {  	[tilespmem:s13], [sflag:$0x1] =	stream.indirect_vreg.gather [hbm:s2], $0x80, v0, vm1, $0x38;
	[tilespmem:$0x10200] =	vst v63  }
0x38: {  	s12 =	sshll.u32 s12, $0x4;
	s14 =	simm.s32 $0x80;
	_ =	swait.ge [sflag:s4], $0x8000  }
0x39: {  	s15 =	simm.s32 $0x8600;
	s12 =	sadd.s32 s12, s7;
	[sflag:s4] =	ssyncset.done $0x0  }
0x3a: {  	s16 =	sadd.s32 $0x0, s12;
	s13 =	simm.s32 $0x8200;
	[sflag:s4] =	ssyncadd.s32 $0xFFFF8000  }
.LBB2_7:
0x3b: {  	[hbm:s16] =	stream.linear.scatter [tilespmem:s13], [sflag:$0x3], $0x400, $0x38;
	[tilespmem:$0x10200] =	vst v63  }
0x3c: {  	s16 =	smov.u32 s14;
	s13 =	smov.u32 s15;
	p0 =	sne.s32 s14, $0xF80  }
.Ltmp5:
0x3d: {  	s14 =	sadd.s32 $0x80, s14;
	(pc) =	sbr.rel @p0 .LBB2_7-.Ltmp5, $2  }
0x3e: {  	_ =	sdelay $0x2  }
0x3f: {  	s15 =	sadd.s32 $0x400, s15;
	s16 =	sadd.s32 s16, s12  }
.Ltmp6:
0x40: {  	(pc) =	sbr.rel .LBB2_9-.Ltmp6, $2  }
0x41: {  	_ =	sdelay $0x2  }
0x42: {  	[hbm:s16] =	stream.linear.scatter [tilespmem:s13], [sflag:$0x3], $0x400, $0x38;
	[tilespmem:$0x10200] =	vst v63  }
.LBB2_2:
.Ltmp7:
0x43: {  	(pc) =	sbr.rel .LBB2_10-.Ltmp7, $4  }
0x44: {  	_ = 	snop  }
0x45: {  	s12 =	sshrl.u32 s11, $0x3  }
0x46: {  	s13 =	sand.u32 $0x7, s11;
	s12 =	sadd.s32 s3, s12  }
0x47: {  	[tilespmem:s9], [sflag:$0x2] =	stream.linear.gather [hbm4b:s12+s13], $0x100, $0x38;
	[tilespmem:$0x10200] =	vst v63  }
.LBB2_11:
0x48: {  	s2 =	simm.s32 $0x3  }
0x49: {  	_ =	swait.ge [sflag:s2], $0x8000  }
0x4a: {  	[sflag:s2] =	ssyncset.done $0x0  }
0x4b: {  	[sflag:s2] =	ssyncadd.s32 $0xFFFF8000  }
0x4c: {  	_ =	sfence.sel $0x180000  }
0x4d: {  	s3 =	simm.s32 $0x2;
	[bflag:$0x0] =	sbarrier.arrive $0xFFFF  }
0x4e: {  	[sflag:s3] =	ssyncpa.u1 $0x1  }
0x4f: {  	s31 =	simm.s32 $0x1;
	[sflag:s2] =	ssyncpa.u1 $0x1  }
0x50: {  	[sflag:s31] =	ssyncpa.u1 $0x1  }
0x51: {  	p0 =	sne.s32 s1, $0x0;
	_ =	strace $0x90000047  }
0x52: {  	s0 =	sadd.s32 @!p0 $0x100000, s0;
	[bflag:$0x2] =	sbarrier.arrive $0xFFFF  }
0x53: {  	[sflag:s0] =	ssyncadd.tile.s32 @!p0 $0x1;
	_ =	shalt  }
.Lfunc_end2:
_tile_overlayer_lowered:
.L_overlay_start_2:
0x54: {  	(tag) =	ssettag $0x2  }
0x55: {  	s0 =	rddreg [dreg:$0x0];
	s2 =	stileid.u32  }
0x56: {  	s1 =	rddreg [dreg:$0x1];
	p0 =	sne.s32 s2, $0x0  }
0x57: {  	s3 =	rddreg [dreg:$0x2];
	[bflag:$0x3] =	sbarrier.arrive $0xFFFF;
	s2 =	simm.s32 @!p0 $0x1C01  }
0x58: {  	[timem:s3], [sflag:s2] =	dma.local @!p0 [hbm:s0], s1  }
0x59: {  	s0 =	simm.s32 @!p0 $0x1  }
0x5a: {  	_ =	swait.ge @!p0 [sflag:s0], s1  }
0x5b: {  	s1 =	ssub.s32 @!p0 $0x0, s1;
	[sflag:s0] =	ssyncset.done @!p0 $0x0  }
0x5c: {  	[sflag:s0] =	ssyncadd.s32 @!p0 s1  }
0x5d: {  	[bflag:$0x3] =	sbarrier.arrive $0xFFFF  }
0x5e: {  	_ =	shalt  }

</sc_bundles>
